<compile_context>
chip_gen: v7x
topology: tpu7x:2x2x1
jax: 0.10.2.dev20260603
libtpu: 0.0.44.dev20260713+nightly
codegen_flags: <defaults>
</compile_context>

<pallas_src>
import functools

import jax
import jax.numpy as jnp
from jax import lax
from jax.experimental import pallas as pl
from jax.experimental.pallas import tpu as pltpu
from jax.experimental.pallas import tpu_sc as plsc

_NC = 2
_NS = 16
_L = 16


def kernel(x, pos_emb):
    S, B, D = x.shape
    NW = _NC * _NS
    s_per_w = S // NW
    CH = 4
    n_chunks = s_per_w // CH
    mesh = plsc.VectorSubcoreMesh(core_axis_name="c", subcore_axis_name="s")

    @functools.partial(
        pl.kernel,
        out_type=jax.ShapeDtypeStruct((S, B, D), jnp.float32),
        mesh=mesh,
        scratch_types=[
            pltpu.VMEM((2, CH, B, D), jnp.float32),
            pltpu.VMEM((2, CH, D), jnp.float32),
            pltpu.SemaphoreType.DMA,
            pltpu.SemaphoreType.DMA,
            pltpu.SemaphoreType.DMA,
        ],
    )
    def _sc_pe_add(x_hbm, pe_hbm, out_hbm, xv, pev, s_in, s_pe, s_out):
        wid = lax.axis_index("s") * _NC + lax.axis_index("c")
        base = wid * s_per_w

        def load(i, slot):
            s0 = base + i * CH
            pltpu.make_async_copy(
                x_hbm.at[pl.ds(s0, CH)], xv.at[slot], s_in).start()
            pltpu.make_async_copy(
                pe_hbm.at[pl.ds(s0, CH)], pev.at[slot], s_pe).start()

        def wait_load(slot):
            pltpu.make_async_copy(
                x_hbm.at[pl.ds(0, CH)], xv.at[slot], s_in).wait()
            pltpu.make_async_copy(
                pe_hbm.at[pl.ds(0, CH)], pev.at[slot], s_pe).wait()

        def compute(slot):
            def col_body(j, carry):
                off = j * _L
                for s in range(CH):
                    pv = pev[slot, s, pl.ds(off, _L)]
                    for b in range(B):
                        xv[slot, s, b, pl.ds(off, _L)] += pv
                return carry

            lax.fori_loop(0, D // _L, col_body, 0)

        def store(i, slot):
            s0 = base + i * CH
            pltpu.make_async_copy(
                xv.at[slot], out_hbm.at[pl.ds(s0, CH)], s_out).start()

        def wait_store(i, slot):
            s0 = base + i * CH
            pltpu.make_async_copy(
                xv.at[slot], out_hbm.at[pl.ds(s0, CH)], s_out).wait()

        load(0, 0)

        def chunk_body(i, carry):
            slot = lax.rem(i, 2)
            nslot = lax.rem(i + 1, 2)

            @pl.when(i >= 1)
            def _():
                wait_store(0, nslot)

            @pl.when(i + 1 < n_chunks)
            def _():
                load(i + 1, nslot)

            wait_load(slot)
            store(i, slot)
            return carry

        lax.fori_loop(0, n_chunks, chunk_body, 0)
        wait_store(0, lax.rem(n_chunks - 1, 2))

    return _sc_pe_add(x, pos_emb)

# --- scband reference (transcript-rebuilt; emitter-appended) ---
"""Pipeline reference for scband-learned-positional-encoding-61168924229968 (READ-ONLY COPY).

The authoritative reference and input builder live on the scoring server;
editing this copy changes nothing except your own understanding.
"""

import jax, jax.numpy as jnp
import numpy as np

D_MODEL = 2048
MAX_LEN = 2048
SEQ_LEN = 2048
BATCH = 4

def setup_inputs(seed: int = 0) -> dict:
    key = jax.random.key(seed)
    k1, k2 = jax.random.split(key)
    x = jax.random.normal(k1, (SEQ_LEN, BATCH, D_MODEL), dtype=jnp.float32)
    pos_emb = jax.random.normal(k2, (MAX_LEN, D_MODEL), dtype=jnp.float32) * 0.02
    return {"x": x, "pos_emb": pos_emb}

def reference(x, pos_emb):
    seq_len = x.shape[0]
    position_ids = jnp.arange(seq_len)
    pe = jnp.take(pos_emb, position_ids, axis=0)  # [seq_len, d_model]
    return x + pe[:, None, :]

if __name__ == "__main__":
    import jax
    _d = setup_inputs()
    print(jax.jit(kernel)(*tuple(_d.values())))

</pallas_src>

<mosaic_0001>
#map = affine_map<(d0, d1) -> (0, 0, 0)>
#map1 = affine_map<(d0, d1) -> (0, 0)>
module attributes {stable_mosaic.version = 14 : i64} {
  func.func @_sc_pe_add(%arg0: i32, %arg1: i32, %arg2: memref<2048x4x2048xf32, #tpu.memory_space<hbm>>, %arg3: memref<2048x2048xf32, #tpu.memory_space<hbm>>, %arg4: memref<2048x4x2048xf32, #tpu.memory_space<hbm>>, %arg5: memref<2x4x4x2048xf32, #tpu.memory_space<vmem>>, %arg6: memref<2x4x2048xf32, #tpu.memory_space<vmem>>, %arg7: memref<!tpu.dma_semaphore, #tpu.memory_space<semaphore_mem>>, %arg8: memref<!tpu.dma_semaphore, #tpu.memory_space<semaphore_mem>>, %arg9: memref<!tpu.dma_semaphore, #tpu.memory_space<semaphore_mem>>) attributes {dimension_semantics = [#tpu.dimension_semantics<core_parallel>, #tpu.dimension_semantics<subcore_parallel>], iteration_bounds = array<i64: 2, 16>, scalar_prefetch = 0 : i64, scratch_operands = 5 : i64, tpu.core_type = #tpu.core_type<sc_vector_subcore>, window_params = [{transform_indices = #map}, {transform_indices = #map1}, {transform_indices = #map}]} {
    %mul3A = arith.constant 2 : i32
    %mul3A_0 = arith.muli %arg1, %mul3A : i32
    %add3A = arith.addi %mul3A_0, %arg0 : i32
    %mul3A_1 = arith.constant 64 : i32
    %mul3A_2 = arith.muli %add3A, %mul3A_1 : i32
    %add3A_3 = arith.constant 0 : i32
    %add3A_4 = arith.addi %mul3A_2, %add3A_3 : i32
    %dma_start3A = arith.constant 0 : i32
    %dma_start3A_5 = arith.constant 0 : i32
    %dma_start3A_6 = arith.constant 0 : i32
    %dma_start3A_7 = arith.constant 0 : i32
    %dma_start3A_8 = tpu.memref_slice %arg5[%dma_start3A, %dma_start3A_5, %dma_start3A_6, %dma_start3A_7] : memref<2x4x4x2048xf32, #tpu.memory_space<vmem>> -> memref<1x4x4x2048xf32, #tpu.memory_space<vmem>>
    %dma_start3A_9 = tpu.memref_squeeze %dma_start3A_8 : memref<1x4x4x2048xf32, #tpu.memory_space<vmem>> -> memref<4x4x2048xf32, #tpu.memory_space<vmem>>
    %dma_start3A_10 = arith.constant 0 : i32
    %dma_start3A_11 = arith.constant 0 : i32
    %dma_start3A_12 = tpu.memref_slice %arg2[%add3A_4, %dma_start3A_10, %dma_start3A_11] : memref<2048x4x2048xf32, #tpu.memory_space<hbm>> -> memref<4x4x2048xf32, #tpu.memory_space<hbm>>
    %dma_start3A_13 = arith.constant 0 : i32
    %dma_start3A_14 = arith.constant 0 : i32
    %dma_start3A_15 = arith.constant 0 : i32
    %dma_start3A_16 = tpu.memref_slice %arg5[%dma_start3A, %dma_start3A_13, %dma_start3A_14, %dma_start3A_15] : memref<2x4x4x2048xf32, #tpu.memory_space<vmem>> -> memref<1x4x4x2048xf32, #tpu.memory_space<vmem>>
    %dma_start3A_17 = tpu.memref_squeeze %dma_start3A_16 : memref<1x4x4x2048xf32, #tpu.memory_space<vmem>> -> memref<4x4x2048xf32, #tpu.memory_space<vmem>>
    %dma_start3A_18 = arith.constant 0 : i32
    %dma_start3A_19 = arith.constant 0 : i32
    %dma_start3A_20 = tpu.memref_slice %arg2[%add3A_4, %dma_start3A_18, %dma_start3A_19] : memref<2048x4x2048xf32, #tpu.memory_space<hbm>> -> memref<4x4x2048xf32, #tpu.memory_space<hbm>>
    tpu.enqueue_dma source(%dma_start3A_20 : memref<4x4x2048xf32, #tpu.memory_space<hbm>>) target(%dma_start3A_17 : memref<4x4x2048xf32, #tpu.memory_space<vmem>>) target_semaphore(%arg7 : memref<!tpu.dma_semaphore, #tpu.memory_space<semaphore_mem>>)
    %dma_start3A_21 = arith.constant 0 : i32
    %dma_start3A_22 = arith.constant 0 : i32
    %dma_start3A_23 = arith.constant 0 : i32
    %dma_start3A_24 = tpu.memref_slice %arg6[%dma_start3A_21, %dma_start3A_22, %dma_start3A_23] : memref<2x4x2048xf32, #tpu.memory_space<vmem>> -> memref<1x4x2048xf32, #tpu.memory_space<vmem>>
    %dma_start3A_25 = tpu.memref_squeeze %dma_start3A_24 : memref<1x4x2048xf32, #tpu.memory_space<vmem>> -> memref<4x2048xf32, #tpu.memory_space<vmem>>
    %dma_start3A_26 = arith.constant 0 : i32
    %dma_start3A_27 = tpu.memref_slice %arg3[%add3A_4, %dma_start3A_26] : memref<2048x2048xf32, #tpu.memory_space<hbm>> -> memref<4x2048xf32, #tpu.memory_space<hbm>>
    %dma_start3A_28 = arith.constant 0 : i32
    %dma_start3A_29 = arith.constant 0 : i32
    %dma_start3A_30 = tpu.memref_slice %arg6[%dma_start3A_21, %dma_start3A_28, %dma_start3A_29] : memref<2x4x2048xf32, #tpu.memory_space<vmem>> -> memref<1x4x2048xf32, #tpu.memory_space<vmem>>
    %dma_start3A_31 = tpu.memref_squeeze %dma_start3A_30 : memref<1x4x2048xf32, #tpu.memory_space<vmem>> -> memref<4x2048xf32, #tpu.memory_space<vmem>>
    %dma_start3A_32 = arith.constant 0 : i32
    %dma_start3A_33 = tpu.memref_slice %arg3[%add3A_4, %dma_start3A_32] : memref<2048x2048xf32, #tpu.memory_space<hbm>> -> memref<4x2048xf32, #tpu.memory_space<hbm>>
    tpu.enqueue_dma source(%dma_start3A_33 : memref<4x2048xf32, #tpu.memory_space<hbm>>) target(%dma_start3A_31 : memref<4x2048xf32, #tpu.memory_space<vmem>>) target_semaphore(%arg8 : memref<!tpu.dma_semaphore, #tpu.memory_space<semaphore_mem>>)
    %scan3A = arith.constant 0 : i32
    %scan3A_34 = arith.constant 0 : i32
    %scan3A_35 = arith.constant 16 : i32
    %scan3A_36 = arith.addi %scan3A_34, %scan3A_35 : i32
    %scan3A_37 = arith.constant 1 : i32
    scf.for %scan3A_58 = %scan3A_34 to %scan3A_36 step %scan3A_37  : i32 {
      %rem3A_59 = arith.constant 2 : i32
      %rem3A_60 = arith.remsi %scan3A_58, %rem3A_59 : i32
      %add3A_61 = arith.constant 1 : i32
      %add3A_62 = arith.addi %scan3A_58, %add3A_61 : i32
      %rem3A_63 = arith.constant 2 : i32
      %rem3A_64 = arith.remsi %add3A_62, %rem3A_63 : i32
      %ge3A = arith.constant 1 : i32
      %ge3A_65 = arith.cmpi sge, %scan3A_58, %ge3A : i32
      %convert_element_type3A = arith.extui %ge3A_65 : i1 to i32
      %cond3A = arith.constant 0 : i32
      %cond3A_66 = arith.cmpi ne, %convert_element_type3A, %cond3A : i32
      scf.if %cond3A_66 {
        %add3A_124 = arith.constant 0 : i32
        %add3A_125 = arith.addi %mul3A_2, %add3A_124 : i32
        %dma_wait3A_126 = arith.constant 0 : i32
        %dma_wait3A_127 = arith.constant 0 : i32
        %dma_wait3A_128 = arith.constant 0 : i32
        %dma_wait3A_129 = tpu.memref_slice %arg5[%rem3A_64, %dma_wait3A_126, %dma_wait3A_127, %dma_wait3A_128] : memref<2x4x4x2048xf32, #tpu.memory_space<vmem>> -> memref<1x4x4x2048xf32, #tpu.memory_space<vmem>>
        %dma_wait3A_130 = tpu.memref_squeeze %dma_wait3A_129 : memref<1x4x4x2048xf32, #tpu.memory_space<vmem>> -> memref<4x4x2048xf32, #tpu.memory_space<vmem>>
        %dma_wait3A_131 = arith.constant 0 : i32
        %dma_wait3A_132 = arith.constant 0 : i32
        %dma_wait3A_133 = tpu.memref_slice %arg4[%add3A_125, %dma_wait3A_131, %dma_wait3A_132] : memref<2048x4x2048xf32, #tpu.memory_space<hbm>> -> memref<4x4x2048xf32, #tpu.memory_space<hbm>>
        %dma_wait3A_134 = arith.constant 0 : i32
        %dma_wait3A_135 = arith.constant 0 : i32
        %dma_wait3A_136 = tpu.memref_slice %arg4[%add3A_125, %dma_wait3A_134, %dma_wait3A_135] : memref<2048x4x2048xf32, #tpu.memory_space<hbm>> -> memref<4x4x2048xf32, #tpu.memory_space<hbm>>
        %dma_wait3A_137 = arith.constant 0 : i32
        %dma_wait3A_138 = arith.constant 0 : i32
        %dma_wait3A_139 = arith.constant 0 : i32
        %dma_wait3A_140 = tpu.memref_slice %arg5[%rem3A_64, %dma_wait3A_137, %dma_wait3A_138, %dma_wait3A_139] : memref<2x4x4x2048xf32, #tpu.memory_space<vmem>> -> memref<1x4x4x2048xf32, #tpu.memory_space<vmem>>
        %dma_wait3A_141 = tpu.memref_squeeze %dma_wait3A_140 : memref<1x4x4x2048xf32, #tpu.memory_space<vmem>> -> memref<4x4x2048xf32, #tpu.memory_space<vmem>>
        tpu.wait_dma2 semaphore(%arg9 : memref<!tpu.dma_semaphore, #tpu.memory_space<semaphore_mem>>) src(%dma_wait3A_141 : memref<4x4x2048xf32, #tpu.memory_space<vmem>>) dst(%dma_wait3A_136 : memref<4x4x2048xf32, #tpu.memory_space<hbm>>)
      } else {
      }
      %add3A_67 = arith.constant 1 : i32
      %add3A_68 = arith.addi %scan3A_58, %add3A_67 : i32
      %lt3A = arith.constant 16 : i32
      %lt3A_69 = arith.cmpi slt, %add3A_68, %lt3A : i32
      %convert_element_type3A_70 = arith.extui %lt3A_69 : i1 to i32
      %cond3A_71 = arith.constant 0 : i32
      %cond3A_72 = arith.cmpi ne, %convert_element_type3A_70, %cond3A_71 : i32
      scf.if %cond3A_72 {
        %add3A_124 = arith.constant 1 : i32
        %add3A_125 = arith.addi %scan3A_58, %add3A_124 : i32
        %mul3A_126 = arith.constant 4 : i32
        %mul3A_127 = arith.muli %add3A_125, %mul3A_126 : i32
        %add3A_128 = arith.addi %mul3A_2, %mul3A_127 : i32
        %dma_start3A_129 = arith.constant 0 : i32
        %dma_start3A_130 = arith.constant 0 : i32
        %dma_start3A_131 = arith.constant 0 : i32
        %dma_start3A_132 = tpu.memref_slice %arg5[%rem3A_64, %dma_start3A_129, %dma_start3A_130, %dma_start3A_131] : memref<2x4x4x2048xf32, #tpu.memory_space<vmem>> -> memref<1x4x4x2048xf32, #tpu.memory_space<vmem>>
        %dma_start3A_133 = tpu.memref_squeeze %dma_start3A_132 : memref<1x4x4x2048xf32, #tpu.memory_space<vmem>> -> memref<4x4x2048xf32, #tpu.memory_space<vmem>>
        %dma_start3A_134 = arith.constant 0 : i32
        %dma_start3A_135 = arith.constant 0 : i32
        %dma_start3A_136 = tpu.memref_slice %arg2[%add3A_128, %dma_start3A_134, %dma_start3A_135] : memref<2048x4x2048xf32, #tpu.memory_space<hbm>> -> memref<4x4x2048xf32, #tpu.memory_space<hbm>>
        %dma_start3A_137 = arith.constant 0 : i32
        %dma_start3A_138 = arith.constant 0 : i32
        %dma_start3A_139 = arith.constant 0 : i32
        %dma_start3A_140 = tpu.memref_slice %arg5[%rem3A_64, %dma_start3A_137, %dma_start3A_138, %dma_start3A_139] : memref<2x4x4x2048xf32, #tpu.memory_space<vmem>> -> memref<1x4x4x2048xf32, #tpu.memory_space<vmem>>
        %dma_start3A_141 = tpu.memref_squeeze %dma_start3A_140 : memref<1x4x4x2048xf32, #tpu.memory_space<vmem>> -> memref<4x4x2048xf32, #tpu.memory_space<vmem>>
        %dma_start3A_142 = arith.constant 0 : i32
        %dma_start3A_143 = arith.constant 0 : i32
        %dma_start3A_144 = tpu.memref_slice %arg2[%add3A_128, %dma_start3A_142, %dma_start3A_143] : memref<2048x4x2048xf32, #tpu.memory_space<hbm>> -> memref<4x4x2048xf32, #tpu.memory_space<hbm>>
        tpu.enqueue_dma source(%dma_start3A_144 : memref<4x4x2048xf32, #tpu.memory_space<hbm>>) target(%dma_start3A_141 : memref<4x4x2048xf32, #tpu.memory_space<vmem>>) target_semaphore(%arg7 : memref<!tpu.dma_semaphore, #tpu.memory_space<semaphore_mem>>)
        %dma_start3A_145 = arith.constant 0 : i32
        %dma_start3A_146 = arith.constant 0 : i32
        %dma_start3A_147 = tpu.memref_slice %arg6[%rem3A_64, %dma_start3A_145, %dma_start3A_146] : memref<2x4x2048xf32, #tpu.memory_space<vmem>> -> memref<1x4x2048xf32, #tpu.memory_space<vmem>>
        %dma_start3A_148 = tpu.memref_squeeze %dma_start3A_147 : memref<1x4x2048xf32, #tpu.memory_space<vmem>> -> memref<4x2048xf32, #tpu.memory_space<vmem>>
        %dma_start3A_149 = arith.constant 0 : i32
        %dma_start3A_150 = tpu.memref_slice %arg3[%add3A_128, %dma_start3A_149] : memref<2048x2048xf32, #tpu.memory_space<hbm>> -> memref<4x2048xf32, #tpu.memory_space<hbm>>
        %dma_start3A_151 = arith.constant 0 : i32
        %dma_start3A_152 = arith.constant 0 : i32
        %dma_start3A_153 = tpu.memref_slice %arg6[%rem3A_64, %dma_start3A_151, %dma_start3A_152] : memref<2x4x2048xf32, #tpu.memory_space<vmem>> -> memref<1x4x2048xf32, #tpu.memory_space<vmem>>
        %dma_start3A_154 = tpu.memref_squeeze %dma_start3A_153 : memref<1x4x2048xf32, #tpu.memory_space<vmem>> -> memref<4x2048xf32, #tpu.memory_space<vmem>>
        %dma_start3A_155 = arith.constant 0 : i32
        %dma_start3A_156 = tpu.memref_slice %arg3[%add3A_128, %dma_start3A_155] : memref<2048x2048xf32, #tpu.memory_space<hbm>> -> memref<4x2048xf32, #tpu.memory_space<hbm>>
        tpu.enqueue_dma source(%dma_start3A_156 : memref<4x2048xf32, #tpu.memory_space<hbm>>) target(%dma_start3A_154 : memref<4x2048xf32, #tpu.memory_space<vmem>>) target_semaphore(%arg8 : memref<!tpu.dma_semaphore, #tpu.memory_space<semaphore_mem>>)
      } else {
      }
      %dma_wait3A_73 = arith.constant 0 : i32
      %dma_wait3A_74 = arith.constant 0 : i32
      %dma_wait3A_75 = arith.constant 0 : i32
      %dma_wait3A_76 = tpu.memref_slice %arg5[%rem3A_60, %dma_wait3A_73, %dma_wait3A_74, %dma_wait3A_75] : memref<2x4x4x2048xf32, #tpu.memory_space<vmem>> -> memref<1x4x4x2048xf32, #tpu.memory_space<vmem>>
      %dma_wait3A_77 = tpu.memref_squeeze %dma_wait3A_76 : memref<1x4x4x2048xf32, #tpu.memory_space<vmem>> -> memref<4x4x2048xf32, #tpu.memory_space<vmem>>
      %dma_wait3A_78 = arith.constant 0 : i32
      %dma_wait3A_79 = arith.constant 0 : i32
      %dma_wait3A_80 = arith.constant 0 : i32
      %dma_wait3A_81 = tpu.memref_slice %arg2[%dma_wait3A_78, %dma_wait3A_79, %dma_wait3A_80] : memref<2048x4x2048xf32, #tpu.memory_space<hbm>> -> memref<4x4x2048xf32, #tpu.memory_space<hbm>>
      %dma_wait3A_82 = arith.constant 0 : i32
      %dma_wait3A_83 = arith.constant 0 : i32
      %dma_wait3A_84 = arith.constant 0 : i32
      %dma_wait3A_85 = tpu.memref_slice %arg5[%rem3A_60, %dma_wait3A_82, %dma_wait3A_83, %dma_wait3A_84] : memref<2x4x4x2048xf32, #tpu.memory_space<vmem>> -> memref<1x4x4x2048xf32, #tpu.memory_space<vmem>>
      %dma_wait3A_86 = tpu.memref_squeeze %dma_wait3A_85 : memref<1x4x4x2048xf32, #tpu.memory_space<vmem>> -> memref<4x4x2048xf32, #tpu.memory_space<vmem>>
      %dma_wait3A_87 = arith.constant 0 : i32
      %dma_wait3A_88 = arith.constant 0 : i32
      %dma_wait3A_89 = arith.constant 0 : i32
      %dma_wait3A_90 = tpu.memref_slice %arg2[%dma_wait3A_87, %dma_wait3A_88, %dma_wait3A_89] : memref<2048x4x2048xf32, #tpu.memory_space<hbm>> -> memref<4x4x2048xf32, #tpu.memory_space<hbm>>
      tpu.wait_dma2 semaphore(%arg7 : memref<!tpu.dma_semaphore, #tpu.memory_space<semaphore_mem>>) src(%dma_wait3A_90 : memref<4x4x2048xf32, #tpu.memory_space<hbm>>) dst(%dma_wait3A_86 : memref<4x4x2048xf32, #tpu.memory_space<vmem>>)
      %dma_wait3A_91 = arith.constant 0 : i32
      %dma_wait3A_92 = arith.constant 0 : i32
      %dma_wait3A_93 = tpu.memref_slice %arg6[%rem3A_60, %dma_wait3A_91, %dma_wait3A_92] : memref<2x4x2048xf32, #tpu.memory_space<vmem>> -> memref<1x4x2048xf32, #tpu.memory_space<vmem>>
      %dma_wait3A_94 = tpu.memref_squeeze %dma_wait3A_93 : memref<1x4x2048xf32, #tpu.memory_space<vmem>> -> memref<4x2048xf32, #tpu.memory_space<vmem>>
      %dma_wait3A_95 = arith.constant 0 : i32
      %dma_wait3A_96 = arith.constant 0 : i32
      %dma_wait3A_97 = tpu.memref_slice %arg3[%dma_wait3A_95, %dma_wait3A_96] : memref<2048x2048xf32, #tpu.memory_space<hbm>> -> memref<4x2048xf32, #tpu.memory_space<hbm>>
      %dma_wait3A_98 = arith.constant 0 : i32
      %dma_wait3A_99 = arith.constant 0 : i32
      %dma_wait3A_100 = tpu.memref_slice %arg6[%rem3A_60, %dma_wait3A_98, %dma_wait3A_99] : memref<2x4x2048xf32, #tpu.memory_space<vmem>> -> memref<1x4x2048xf32, #tpu.memory_space<vmem>>
      %dma_wait3A_101 = tpu.memref_squeeze %dma_wait3A_100 : memref<1x4x2048xf32, #tpu.memory_space<vmem>> -> memref<4x2048xf32, #tpu.memory_space<vmem>>
      %dma_wait3A_102 = arith.constant 0 : i32
      %dma_wait3A_103 = arith.constant 0 : i32
      %dma_wait3A_104 = tpu.memref_slice %arg3[%dma_wait3A_102, %dma_wait3A_103] : memref<2048x2048xf32, #tpu.memory_space<hbm>> -> memref<4x2048xf32, #tpu.memory_space<hbm>>
      tpu.wait_dma2 semaphore(%arg8 : memref<!tpu.dma_semaphore, #tpu.memory_space<semaphore_mem>>) src(%dma_wait3A_104 : memref<4x2048xf32, #tpu.memory_space<hbm>>) dst(%dma_wait3A_101 : memref<4x2048xf32, #tpu.memory_space<vmem>>)
      %mul3A_105 = arith.constant 4 : i32
      %mul3A_106 = arith.muli %scan3A_58, %mul3A_105 : i32
      %add3A_107 = arith.addi %mul3A_2, %mul3A_106 : i32
      %dma_start3A_108 = arith.constant 0 : i32
      %dma_start3A_109 = arith.constant 0 : i32
      %dma_start3A_110 = arith.constant 0 : i32
      %dma_start3A_111 = tpu.memref_slice %arg5[%rem3A_60, %dma_start3A_108, %dma_start3A_109, %dma_start3A_110] : memref<2x4x4x2048xf32, #tpu.memory_space<vmem>> -> memref<1x4x4x2048xf32, #tpu.memory_space<vmem>>
      %dma_start3A_112 = tpu.memref_squeeze %dma_start3A_111 : memref<1x4x4x2048xf32, #tpu.memory_space<vmem>> -> memref<4x4x2048xf32, #tpu.memory_space<vmem>>
      %dma_start3A_113 = arith.constant 0 : i32
      %dma_start3A_114 = arith.constant 0 : i32
      %dma_start3A_115 = tpu.memref_slice %arg4[%add3A_107, %dma_start3A_113, %dma_start3A_114] : memref<2048x4x2048xf32, #tpu.memory_space<hbm>> -> memref<4x4x2048xf32, #tpu.memory_space<hbm>>
      %dma_start3A_116 = arith.constant 0 : i32
      %dma_start3A_117 = arith.constant 0 : i32
      %dma_start3A_118 = tpu.memref_slice %arg4[%add3A_107, %dma_start3A_116, %dma_start3A_117] : memref<2048x4x2048xf32, #tpu.memory_space<hbm>> -> memref<4x4x2048xf32, #tpu.memory_space<hbm>>
      %dma_start3A_119 = arith.constant 0 : i32
      %dma_start3A_120 = arith.constant 0 : i32
      %dma_start3A_121 = arith.constant 0 : i32
      %dma_start3A_122 = tpu.memref_slice %arg5[%rem3A_60, %dma_start3A_119, %dma_start3A_120, %dma_start3A_121] : memref<2x4x4x2048xf32, #tpu.memory_space<vmem>> -> memref<1x4x4x2048xf32, #tpu.memory_space<vmem>>
      %dma_start3A_123 = tpu.memref_squeeze %dma_start3A_122 : memref<1x4x4x2048xf32, #tpu.memory_space<vmem>> -> memref<4x4x2048xf32, #tpu.memory_space<vmem>>
      tpu.enqueue_dma source(%dma_start3A_123 : memref<4x4x2048xf32, #tpu.memory_space<vmem>>) target(%dma_start3A_118 : memref<4x4x2048xf32, #tpu.memory_space<hbm>>) target_semaphore(%arg9 : memref<!tpu.dma_semaphore, #tpu.memory_space<semaphore_mem>>)
    }
    %scan3A_38 = arith.constant 16 : i32
    %rem3A = arith.constant 15 : i32
    %rem3A_39 = arith.constant 2 : i32
    %rem3A_40 = arith.remsi %rem3A, %rem3A_39 : i32
    %add3A_41 = arith.constant 0 : i32
    %add3A_42 = arith.addi %mul3A_2, %add3A_41 : i32
    %dma_wait3A = arith.constant 0 : i32
    %dma_wait3A_43 = arith.constant 0 : i32
    %dma_wait3A_44 = arith.constant 0 : i32
    %dma_wait3A_45 = tpu.memref_slice %arg5[%rem3A_40, %dma_wait3A, %dma_wait3A_43, %dma_wait3A_44] : memref<2x4x4x2048xf32, #tpu.memory_space<vmem>> -> memref<1x4x4x2048xf32, #tpu.memory_space<vmem>>
    %dma_wait3A_46 = tpu.memref_squeeze %dma_wait3A_45 : memref<1x4x4x2048xf32, #tpu.memory_space<vmem>> -> memref<4x4x2048xf32, #tpu.memory_space<vmem>>
    %dma_wait3A_47 = arith.constant 0 : i32
    %dma_wait3A_48 = arith.constant 0 : i32
    %dma_wait3A_49 = tpu.memref_slice %arg4[%add3A_42, %dma_wait3A_47, %dma_wait3A_48] : memref<2048x4x2048xf32, #tpu.memory_space<hbm>> -> memref<4x4x2048xf32, #tpu.memory_space<hbm>>
    %dma_wait3A_50 = arith.constant 0 : i32
    %dma_wait3A_51 = arith.constant 0 : i32
    %dma_wait3A_52 = tpu.memref_slice %arg4[%add3A_42, %dma_wait3A_50, %dma_wait3A_51] : memref<2048x4x2048xf32, #tpu.memory_space<hbm>> -> memref<4x4x2048xf32, #tpu.memory_space<hbm>>
    %dma_wait3A_53 = arith.constant 0 : i32
    %dma_wait3A_54 = arith.constant 0 : i32
    %dma_wait3A_55 = arith.constant 0 : i32
    %dma_wait3A_56 = tpu.memref_slice %arg5[%rem3A_40, %dma_wait3A_53, %dma_wait3A_54, %dma_wait3A_55] : memref<2x4x4x2048xf32, #tpu.memory_space<vmem>> -> memref<1x4x4x2048xf32, #tpu.memory_space<vmem>>
    %dma_wait3A_57 = tpu.memref_squeeze %dma_wait3A_56 : memref<1x4x4x2048xf32, #tpu.memory_space<vmem>> -> memref<4x4x2048xf32, #tpu.memory_space<vmem>>
    tpu.wait_dma2 semaphore(%arg9 : memref<!tpu.dma_semaphore, #tpu.memory_space<semaphore_mem>>) src(%dma_wait3A_57 : memref<4x4x2048xf32, #tpu.memory_space<vmem>>) dst(%dma_wait3A_52 : memref<4x4x2048xf32, #tpu.memory_space<hbm>>)
    return
  }
}

</mosaic_0001>

<sc_bundles>
// kernel: kernel.3.cloned.1.call-start
scs
__scs_entry_jumppad:
0x0: {  	(pc) =	sbr.rel $0x88, $3  }
0x1: {  	(tag) =	ssettag $0x0;
	lr =	simm.s32 $0x1  }
0x2: {  	[smem:$0x3F9F] =	sst lr;
	_ =	strace $0xD0000000  }
0x3: {  	_ = 	snop  }
0x4: {  	_ = 	snop  }
0x5: {  	_ = 	snop  }
0x6: {  	_ = 	snop  }
0x7: {  	_ = 	snop  }
__scs_overlays_trampoline_lowered:
0x8: {  	[smem:$0x3FAE] =	sst s0  }
0x9: {  	[smem:$0x3FAF] =	sst s1  }
0xa: {  	[smem:$0x3FB0] =	sst s2  }
0xb: {  	[smem:$0x3FB1] =	sst s3  }
0xc: {  	[smem:$0x3FB2] =	sst s4  }
0xd: {  	[smem:$0x3FB3] =	sst s5  }
0xe: {  	[smem:$0x3FB4] =	sst s6  }
0xf: {  	[smem:$0x3FB5] =	sst s7  }
0x10: {  	[smem:$0x3FB6] =	sst s8  }
0x11: {  	[smem:$0x3FB7] =	sst s9;
	s0 =	simm.s32 @!p0 $0x0  }
0x12: {  	s1 =	sld [smem:$0x3F9D];
	s0 =	simm.s32 @p0 $0x1  }
0x13: {  	[smem:$0x3FB8] =	sst s0;
	s0 =	simm.s32 @!p1 $0x0  }
0x14: {  	s2 =	sld [smem:$0x3F9C];
	s0 =	simm.s32 @p1 $0x1  }
0x15: {  	[smem:$0x3FB9] =	sst s0;
	s0 =	simm.s32 @!p2 $0x0  }
0x16: {  	s3 =	sld [smem:$0x3FDB];
	s0 =	simm.s32 @p2 $0x1  }
0x17: {  	s4 =	simm.s32 $0x1BF5;
	[smem:$0x3FBB] =	sst s0  }
0x18: {  	s0 =	sld [smem:$0x3F9E];
	_ =	swait.ge [sflag:s4], $0x0  }
0x19: {  	s7 =	sld [smem:$0x3F9F]  }
0x1a: {  	s8 =	sadd.s32 $0xFFFFE003, lr  }
0x1b: {  	s9 =	sadd.s32 $0xFFFFFEF7, lr;
	s5 =	simm.s32 $0xFFFFFFFF;
	p2 =	slt.u32 s8, $0xFFFFF086  }
0x1c: {  	p1 =	slt.u32 s9, $0xF7A;
	s5 =	simm.s32 @!p2 $0x0  }
0x1d: {  	s5 =	simm.s32 @p1 $0x1;
	p0 =	seq.s32 s7, s2  }
0x1e: {  	s7 =	smul.u32 @!p0 $0xF7A, s2;
	p2 =	seq.s32 @!p0 s5, $0x0  }
0x1f: {  	s9 =	smul.u32 $0xF7A, s1;
	s8 =	simm.s32 @!p0 $0x1BF5;
	p2 =	por !p2, p0  }
0x20: {  	[sflag:s8] =	ssyncset.s32 @!p0 $0xFFFFF086;
	s6 =	sadd.s32 @!p0 s3, s7;
	s7 =	simm.s32 @!p0 $0x108  }
0x21: {  	s3 =	sadd.s32 s3, s9;
	s6 =	sadd.s32 @!p0 $0x88, s6;
	s7 =	simm.s32 @p2 $0x1082  }
0x22: {  	[simem:s7], [sflag:s8] =	dma.local @!p0 [hbm:s6], $0xF7A  }
0x23: {  	s9 =	sor.u32 $0xD0000000, s2;
	s6 =	simm.s32 $0x108;
	_ =	swait.ge @!p0 [sflag:s8], $0x0  }
0x24: {  	s3 =	sadd.s32 $0x88, s3;
	s6 =	simm.s32 @!p1 $0x1082;
	[sflag:s4] =	ssyncset.s32 $0xFFFFF086  }
0x25: {  	[simem:s6], [sflag:s4] =	dma.local [hbm:s3], $0xF7A  }
0x26: {  	[smem:$0x3F9F] =	sst s1;
	(tag) =	ssettag s2;
	_ =	strace s9  }
0x27: {  	s1 =	sld [smem:$0x3FAF]  }
0x28: {  	s2 =	sld [smem:$0x3FB0]  }
0x29: {  	s4 =	sld [smem:$0x3FB2]  }
0x2a: {  	p0 =	seq.s32 s5, $0x0;
	s5 =	sld [smem:$0x3FB3]  }
0x2b: {  	s6 =	sld [smem:$0x3FB4]  }
0x2c: {  	s7 =	sld [smem:$0x3FB5]  }
0x2d: {  	s3 =	simm.s32 $0x108;
	s8 =	sld [smem:$0x3FB6]  }
0x2e: {  	s3 =	simm.s32 @!p0 $0x1082;
	s9 =	sld [smem:$0x3FB7]  }
0x2f: {  	lr =	sadd.s32 s0, s3;
	s0 =	sld [smem:$0x3FAE]  }
0x30: {  	s3 =	sld [smem:$0x3FB1]  }
0x31: {  	[smem:$0x3FBA] =	sst s10  }
0x32: {  	s10 =	sld [smem:$0x3FB8];
	_ =	sdelay $0x3  }
0x33: {  	p0 =	seq.s32 s10, $0x1;
	s10 =	sld [smem:$0x3FBA];
	_ =	sdelay $0x3  }
0x34: {  	[smem:$0x3FBA] =	sst s10  }
0x35: {  	s10 =	sld [smem:$0x3FB9];
	_ =	sdelay $0x3  }
0x36: {  	p1 =	seq.s32 s10, $0x1;
	s10 =	sld [smem:$0x3FBA];
	_ =	sdelay $0x3  }
0x37: {  	[smem:$0x3FBA] =	sst s10  }
0x38: {  	s10 =	sld [smem:$0x3FBB]  }
0x39: {  	_ = 	snop;
	(pc) =	sbr.ind lr, $3  }
0x3a: {  	_ = 	snop  }
0x3b: {  	_ = 	snop  }
0x3c: {  	p2 =	seq.s32 s10, $0x1;
	s10 =	sld [smem:$0x3FBA]  }
0x3d: {  	_ =	shalt  }
0x3e: {  	_ =	shalt  }
0x3f: {  	_ =	shalt  }
0x40: {  	_ =	shalt  }
0x41: {  	_ =	shalt  }
0x42: {  	_ =	shalt  }
0x43: {  	_ =	shalt  }
0x44: {  	_ =	shalt  }
0x45: {  	_ =	shalt  }
0x46: {  	_ =	shalt  }
0x47: {  	_ =	shalt  }
0x48: {  	_ =	shalt  }
0x49: {  	_ =	shalt  }
0x4a: {  	_ =	shalt  }
0x4b: {  	_ =	shalt  }
0x4c: {  	_ =	shalt  }
0x4d: {  	_ =	shalt  }
0x4e: {  	_ =	shalt  }
0x4f: {  	_ =	shalt  }
0x50: {  	_ =	shalt  }
0x51: {  	_ =	shalt  }
0x52: {  	_ =	shalt  }
0x53: {  	_ =	shalt  }
0x54: {  	_ =	shalt  }
0x55: {  	_ =	shalt  }
0x56: {  	_ =	shalt  }
0x57: {  	_ =	shalt  }
0x58: {  	_ =	shalt  }
0x59: {  	_ =	shalt  }
0x5a: {  	_ =	shalt  }
0x5b: {  	_ =	shalt  }
0x5c: {  	_ =	shalt  }
0x5d: {  	_ =	shalt  }
0x5e: {  	_ =	shalt  }
0x5f: {  	_ =	shalt  }
0x60: {  	_ =	shalt  }
0x61: {  	_ =	shalt  }
0x62: {  	_ =	shalt  }
0x63: {  	_ =	shalt  }
0x64: {  	_ =	shalt  }
0x65: {  	_ =	shalt  }
0x66: {  	_ =	shalt  }
0x67: {  	_ =	shalt  }
0x68: {  	_ =	shalt  }
0x69: {  	_ =	shalt  }
0x6a: {  	_ =	shalt  }
0x6b: {  	_ =	shalt  }
0x6c: {  	_ =	shalt  }
0x6d: {  	_ =	shalt  }
0x6e: {  	_ =	shalt  }
0x6f: {  	_ =	shalt  }
0x70: {  	_ =	shalt  }
0x71: {  	_ =	shalt  }
0x72: {  	_ =	shalt  }
0x73: {  	_ =	shalt  }
0x74: {  	_ =	shalt  }
0x75: {  	_ =	shalt  }
0x76: {  	_ =	shalt  }
0x77: {  	_ =	shalt  }
0x78: {  	_ =	shalt  }
0x79: {  	_ =	shalt  }
0x7a: {  	_ =	shalt  }
0x7b: {  	_ =	shalt  }
0x7c: {  	_ =	shalt  }
0x7d: {  	_ =	shalt  }
0x7e: {  	_ =	shalt  }
0x7f: {  	_ =	shalt  }
0x80: {  	_ =	shalt  }
0x81: {  	_ =	shalt  }
0x82: {  	_ =	shalt  }
0x83: {  	_ =	shalt  }
0x84: {  	_ =	shalt  }
0x85: {  	_ =	shalt  }
0x86: {  	_ =	shalt  }
0x87: {  	_ =	shalt  }
.Lfunc_end0:
.L_simem_size_0:
called_computation_lowered:
.L_overlay_start_0:
0x88: {  	s2 =	sld [smem:$0x3FD9]  }
0x89: {  	s3 =	sld [smem:$0x3FFE];
	_ =	sdelay $0x1  }
0x8a: {  	s1 =	srdreg.scid  }
0x8b: {  	s0 =	sand.u32 $0x1, s1  }
0x8c: {  	s18 =	sshll.u32 s0, $0xA;
	s2 =	sadd.s32 s3, s2  }
0x8d: {  	s2 =	sadd.s32 s2, s18  }
0x8e: {  	[smem:$0x3FC6] =	sst s2  }
0x8f: {  	_ = 	snop  }
0x90: {  	s2 =	sld [smem:$0x3FC9]  }
0x91: {  	s19 =	sld [smem:$0x3FC8]  }
0x92: {  	s4 =	sld [smem:$0x3FD0];
	(tm) =	ssettm $0x1  }
0x93: {  	s5 =	sld [smem:$0x3FFB];
	_ =	sdelay $0x3  }
0x94: {  	_ =	strace s5  }
0x95: {  	s5 =	sld [smem:$0x3FFC];
	_ =	sdelay $0x3  }
0x96: {  	_ =	strace s5  }
0x97: {  	s5 =	sld [smem:$0x3FFD];
	_ =	sdelay $0x3  }
0x98: {  	_ =	strace s5  }
0x99: {  	_ =	strace $0x8FFFFFFF  }
0x9a: {  	s20 =	sld [smem:$0x3FDB];
	_ =	sdelay $0x1  }
0x9b: {  	s6 =	simm.s32 $_scs_section_size  }
0x9c: {  	s7 =	simm.s32 $_size__tile_overlayer_lowered;
	s8 =	simm.s32 $_tile_overlayer_lowered  }
0x9d: {  	s23 =	simm.s32 $0x1BFF;
	s22 =	sshll.u32 s8, $0x1;
	s5 =	sadd.s32 s6, s20  }
0x9e: {  	s9 =	simm.s32 $0x0;
	s21 =	sshll.u32 s7, $0x1;
	s7 =	sadd.s32 s22, s5  }
0x9f: {  	[timem:s9], [sflag:s23] =	dma.local [hbm:s7], s21  }
0xa0: {  	_ =	swait.ge [sflag:s23], s21  }
0xa1: {  	s6 =	ssub.s32 $0x0, s21;
	[sflag:s23] =	ssyncset.done $0x0  }
0xa2: {  	[sflag:s23] =	ssyncadd.s32 s6;
	_ =	sdelay $0x1  }
0xa3: {  	s24 =	simm.s32 $0x1B8B  }
0xa4: {  	_ =	swait.ge [sflag:s24], $0x1  }
0xa5: {  	[sflag:s24] =	ssyncset.done $0x0  }
0xa6: {  	s25 =	simm.s32 $0x1B8E;
	[sflag:s24] =	ssyncadd.s32 $0xFFFFFFFF  }
0xa7: {  	s26 =	simm.s32 $execute0_lowered;
	[smem:$0x3FD2] =	sst s25  }
0xa8: {  	s6 =	sshll.u32 s26, $0x1;
	_ =	strace $0x80000046;
	[dreg:$0x1] =	wrdreg $0xFFFFFFFF  }
0xa9: {  	s28 =	simm.s32 $_size_execute0_lowered;
	s5 =	sadd.s32 s5, s6;
	[dreg:$0x0] =	wrdreg $0x0  }
0xaa: {  	s6 =	sshll.u32 s28, $0x1;
	[dreg:$0x2] =	wrdreg s5  }
0xab: {  	[dreg:$0x3] =	wrdreg s6  }
0xac: {  	[dreg:$0x4] =	wrdreg $0xC0  }
0xad: {  	_ =	task [dreg:s9], $0x5FFFF  }
0xae: {  	[dreg:$0x1] =	wrdreg $0xFFFFFFFF  }
0xaf: {  	[dreg:$0x0] =	wrdreg $0x60  }
0xb0: {  	[dreg:$0x2] =	wrdreg s2  }
0xb1: {  	[dreg:$0x3] =	wrdreg s19  }
0xb2: {  	[dreg:$0x4] =	wrdreg s4  }
0xb3: {  	[dreg:$0x5] =	wrdreg $0x9  }
0xb4: {  	_ =	task.clear_ibuf [dreg:s9], $0x6FFFF;
	_ =	strace $0x90000046  }
0xb5: {  	s29 =	simm.s32 $0x9;
	_ =	strace $0x80000048  }
0xb6: {  	_ =	swait.ge [sflag:s29], $0x1  }
0xb7: {  	[sflag:s29] =	ssyncadd.s32 $0xFFFFFFFF  }
0xb8: {  	_ =	strace $0x90000048  }
0xb9: {  	_ =	sfence  }
0xba: {  	s30 =	sld [smem:$0x0];
	_ =	sdelay $0x2  }
0xbb: {  	s31 =	sshll.u32 s1, $0xD;
	s1 =	sshrl.u32 s1, $0x2  }
0xbc: {  	s3 =	sand.u32 $0x4000, s31;
	s1 =	sadd.s32 s1, s30  }
0xbd: {  	s0 =	sor.u32 s3, s0;
	s1 =	sshll.u32 s1, $0x11  }
0xbe: {  	s0 =	sor.u32 s1, s0  }
0xbf: {  	s0 =	sadd.s32 $0x8F2B, s0  }
0xc0: {  	[sflag:s0] =	ssyncadd.remote.s32 $0x1  }
0xc1: {  	_ =	sfence.sel $0xFFFF  }
0xc2: {  	[dreg:$0x0] =	wrdreg $0xFFFFFFFF;
	(pc) =	sbr.abs _section_cstart, $3  }
0xc3: {  	[dreg:$0x1] =	wrdreg $0xFFFFFFFF  }
0xc4: {  	_ =	task.clear_ibuf [dreg:s9], $0x2FFFF;
	_ =	strace $0x9FFFFFFF  }
0xc5: {  	(tm) =	ssettm $0x7FFFFFFF  }
tec
execute0_lowered:
.L_overlay_start_1:
0x0: {  	(tag) =	ssettag $0x1  }
0x1: {  	s10 =	rddreg [dreg:$0x0]  }
0x2: {  	s2 =	rddreg [dreg:$0x1]  }
0x3: {  	s11 =	rddreg [dreg:$0x2];
	s3 =	srdreg.scid  }
0x4: {  	s0 =	stileid.u32;
	s15 =	simm.s32 $0x400;
	s17 =	simm.s32 $0x8000  }
0x5: {  	s19 =	simm.s32 $0x1;
	s20 =	simm.s32 $0x3;
	s21 =	simm.s32 $0x2  }
0x6: {  	s22 =	simm.s32 $0x0;
	s12 =	sand.u32 $0x1, s3;
	s3 =	simm.s32 $0x0  }
0x7: {  	s4 =	sshll.u32 s0, $0x7;
	s14 =	sshll.u32 s0, $0x11;
	s5 =	sshll.u32 s12, $0x6  }
0x8: {  	[smem:$0x7FF] =	sst s3;
	s6 =	ssub.s32 $0x2, s12;
	s12 =	sshll.u32 s12, $0x10  }
0x9: {  	s5 =	sor.u32 s5, s4;
	_ =	strace $0x80000047;
	s31 =	sshrl.u32 s6, $0x1  }
0xa: {  	s7 =	sshll.u32 s5, $0xA;
	s8 =	ssub.s32 s6, s31;
	s13 =	sshll.u32 s5, $0x8  }
0xb: {  	s4 =	sadd.s32 s10, s7;
	s5 =	sadd.s32 s2, s13;
	s6 =	sadd.s32 s11, s7  }
0xc: {  	s7 =	smax.u32 s8, $0x1;
	s11 =	sadd.s32 s14, s11;
	s14 =	sadd.s32 s14, s10  }
0xd: {  	s13 =	sor.u32 $0x800, s13;
	s8 =	sadd.s32 $0x1000, s4;
	s9 =	sadd.s32 $0x40, s5  }
0xe: {  	s10 =	sadd.s32 $0xF000, s6;
	s11 =	sadd.s32 s12, s11;
	s12 =	sadd.s32 s12, s14  }
0xf: {  	s14 =	simm.s32 $0x200;
	s11 =	sadd.s32 $0x1000, s11;
	s12 =	sadd.s32 $0x2000, s12  }
.LBB2_1:
0x10: {  	[tilespmem:s3], [sflag:$0x1] =	stream.linear.gather [hbm4b:s4+s3], $0x8000, $0x38;
	[tilespmem:$0x14000] =	vst v63  }
0x11: {  	s0 =	simm.s32 $0x10000  }
0x12: {  	[tilespmem:s0], [sflag:$0x2] =	stream.strided.gather [hbm4b:s5+s14], $0x2000, s15, s14, $0x38;
	[tilespmem:$0x14000] =	vst v63  }
0x13: {  	_ = 	snop  }
0x14: {  	[tilespmem:s17], [sflag:$0x1] =	stream.linear.gather [hbm4b:s8+s3], $0x8000, $0x38;
	[tilespmem:$0x14000] =	vst v63  }
0x15: {  	s26 =	simm.s32 $0x12000  }
0x16: {  	[tilespmem:s26], [sflag:$0x2] =	stream.strided.gather [hbm4b:s9+s14], $0x2000, s15, s14, $0x38;
	[tilespmem:$0x14000] =	vst v63  }
0x17: {  	_ =	swait.ge [sflag:s19], $0x8000  }
0x18: {  	[sflag:s19] =	ssyncset.done $0x0  }
0x19: {  	[sflag:s19] =	ssyncadd.s32 $0xFFFF8000  }
0x1a: {  	_ =	swait.ge [sflag:s21], $0x2000  }
0x1b: {  	[sflag:s21] =	ssyncset.done $0x0  }
0x1c: {  	s23 =	simm.s32 $0x80;
	s24 =	sand.u32 $0xFF800, s13;
	[sflag:s21] =	ssyncadd.s32 $0xFFFFE000  }
0x1d: {  	[hbm4b:s6+s3] =	stream.linear.scatter [tilespmem:s3], [sflag:$0x3], $0x8000, $0x38;
	[tilespmem:$0x14000] =	vst v63  }
0x1e: {  	s25 =	sadd.s32 $0x0, s12;
	s23 =	sand.u32 $0x40, s23;
	_ =	swait.ge [sflag:s20], $0x8000  }
0x1f: {  	s23 =	sadd.s32 s2, s23;
	s26 =	sand.u32 $0x1, s21;
	[sflag:s20] =	ssyncset.done $0x0  }
0x20: {  	s28 =	sshll.u32 s26, $0xF;
	s26 =	sshll.u32 s26, $0xD;
	[sflag:s20] =	ssyncadd.s32 $0xFFFF8000  }
0x21: {  	[tilespmem:s28], [sflag:$0x1] =	stream.linear.gather [hbm4b:s25+s3], $0x8000, $0x38;
	[tilespmem:$0x14000] =	vst v63  }
0x22: {  	s23 =	sadd.s32 s24, s23;
	s31 =	sor.u32 $0x10000, s26  }
0x23: {  	[tilespmem:s31], [sflag:$0x2] =	stream.strided.gather [hbm4b:s23+s14], $0x2000, s15, s14, $0x38;
	[tilespmem:$0x14000] =	vst v63  }
0x24: {  	_ =	swait.ge [sflag:s19], $0x8000  }
0x25: {  	s30 =	sadd.s32 $0x0, s11;
	[sflag:s19] =	ssyncset.done $0x0  }
0x26: {  	s24 =	simm.s32 $0x40000;
	s26 =	simm.s32 $0xC0;
	[sflag:s19] =	ssyncadd.s32 $0xFFFF8000  }
0x27: {  	s28 =	simm.s32 $0x20000;
	s25 =	sadd.s32 $0x400, s13;
	_ =	swait.ge [sflag:s21], $0x2000  }
0x28: {  	s29 =	sand.u32 $0x20000, s28;
	s28 =	simm.s32 $0x3;
	[sflag:s21] =	ssyncset.done $0x0  }
0x29: {  	s23 =	simm.s32 $0x1000;
	s29 =	sshrl.u32 s29, $0x2;
	[sflag:s21] =	ssyncadd.s32 $0xFFFFE000  }
.LBB2_2:
0x2a: {  	[hbm4b:s30+s3] =	stream.linear.scatter [tilespmem:s29], [sflag:$0x3], $0x8000, $0x38;
	[tilespmem:$0x14000] =	vst v63  }
0x2b: {  	s30 =	smov.u32 s23;
	s29 =	smov.u32 s24  }
0x2c: {  	s31 =	sand.u32 $0xFF800, s25;
	p0 =	sne.s32 s23, $0xD000;
	s23 =	sadd.s32 $0x1000, s23  }
0x2d: {  	s1 =	sand.u32 $0x40, s26;
	s0 =	sadd.s32 s30, s12;
	_ =	swait.ge [sflag:s20], $0x8000  }
0x2e: {  	s16 =	sand.u32 $0x1, s28;
	s1 =	sadd.s32 s2, s1;
	[sflag:s20] =	ssyncset.done $0x0  }
0x2f: {  	s18 =	sshll.u32 s16, $0xF;
	s16 =	sshll.u32 s16, $0xD;
	[sflag:s20] =	ssyncadd.s32 $0xFFFF8000  }
0x30: {  	[tilespmem:s18], [sflag:$0x1] =	stream.linear.gather [hbm4b:s0+s3], $0x8000, $0x38;
	[tilespmem:$0x14000] =	vst v63  }
0x31: {  	s1 =	sadd.s32 s31, s1;
	s0 =	sor.u32 $0x10000, s16  }
0x32: {  	[tilespmem:s0], [sflag:$0x2] =	stream.strided.gather [hbm4b:s1+s14], $0x2000, s15, s14, $0x38;
	[tilespmem:$0x14000] =	vst v63  }
0x33: {  	_ =	swait.ge [sflag:s19], $0x8000  }
.Ltmp0:
0x34: {  	[sflag:s19] =	ssyncset.done $0x0;
	(pc) =	sbr.rel @p0 .LBB2_2-.Ltmp0, $4  }
0x35: {  	s24 =	sadd.s32 $0x20000, s24;
	[sflag:s19] =	ssyncadd.s32 $0xFFFF8000  }
0x36: {  	s25 =	sadd.s32 $0x400, s25;
	s26 =	sadd.s32 $0x40, s26;
	_ =	swait.ge [sflag:s21], $0x2000  }
0x37: {  	s28 =	sadd.s32 $0x1, s28;
	s0 =	sand.u32 $0x20000, s29;
	[sflag:s21] =	ssyncset.done $0x0  }
0x38: {  	s30 =	sadd.s32 s30, s11;
	s29 =	sshrl.u32 s0, $0x2;
	[sflag:s21] =	ssyncadd.s32 $0xFFFFE000  }
0x39: {  	[hbm4b:s30+s3] =	stream.linear.scatter [tilespmem:s29], [sflag:$0x3], $0x8000, $0x38;
	[tilespmem:$0x14000] =	vst v63  }
0x3a: {  	_ =	swait.ge [sflag:s20], $0x8000  }
0x3b: {  	[sflag:s20] =	ssyncset.done $0x0  }
0x3c: {  	[sflag:s20] =	ssyncadd.s32 $0xFFFF8000  }
0x3d: {  	_ =	swait.ge [sflag:s19], $0x8000  }
0x3e: {  	[sflag:s19] =	ssyncset.done $0x0  }
0x3f: {  	[sflag:s19] =	ssyncadd.s32 $0xFFFF8000  }
0x40: {  	s22 =	sadd.s32 $0x1, s22;
	_ =	swait.ge [sflag:s21], $0x2000  }
0x41: {  	p0 =	sne.s32 s22, s7;
	[sflag:s21] =	ssyncset.done $0x0  }
.Ltmp1:
0x42: {  	[sflag:s21] =	ssyncadd.s32 $0xFFFFE000;
	(pc) =	sbr.rel @p0 .LBB2_1-.Ltmp1, $4  }
0x43: {  	[hbm4b:s10+s3] =	stream.linear.scatter [tilespmem:s17], [sflag:$0x3], $0x8000, $0x38;
	[tilespmem:$0x14000] =	vst v63  }
0x44: {  	_ =	swait.ge [sflag:s20], $0x8000  }
0x45: {  	[sflag:s20] =	ssyncset.done $0x0  }
0x46: {  	[sflag:s20] =	ssyncadd.s32 $0xFFFF8000  }
0x47: {  	_ =	sfence.sel $0x180000  }
0x48: {  	[bflag:$0x0] =	sbarrier.arrive $0xFFFF  }
0x49: {  	_ =	strace $0x90000047  }
0x4a: {  	s0 =	stileid.u32;
	[bflag:$0x2] =	sbarrier.arrive $0xFFFF  }
0x4b: {  	p0 =	sne.s32 s0, $0x0;
	s0 =	rddreg [dreg:$0x3]  }
0x4c: {  	s0 =	sadd.s32 @!p0 $0x100000, s0  }
0x4d: {  	[sflag:s0] =	ssyncadd.tile.s32 @!p0 $0x1;
	_ =	shalt  }
.Lfunc_end2:
_tile_overlayer_lowered:
.L_overlay_start_2:
0x4e: {  	(tag) =	ssettag $0x2  }
0x4f: {  	s0 =	rddreg [dreg:$0x0];
	s2 =	stileid.u32  }
0x50: {  	s1 =	rddreg [dreg:$0x1];
	p0 =	sne.s32 s2, $0x0  }
0x51: {  	s3 =	rddreg [dreg:$0x2];
	[bflag:$0x3] =	sbarrier.arrive $0xFFFF;
	s2 =	simm.s32 @!p0 $0x1C04  }
0x52: {  	[timem:s3], [sflag:s2] =	dma.local @!p0 [hbm:s0], s1  }
0x53: {  	s0 =	simm.s32 @!p0 $0x4  }
0x54: {  	_ =	swait.ge @!p0 [sflag:s0], s1  }
0x55: {  	s1 =	ssub.s32 @!p0 $0x0, s1;
	[sflag:s0] =	ssyncset.done @!p0 $0x0  }
0x56: {  	[sflag:s0] =	ssyncadd.s32 @!p0 s1  }
0x57: {  	[bflag:$0x3] =	sbarrier.arrive $0xFFFF  }
0x58: {  	_ =	shalt  }

</sc_bundles>
